<compile_context>
chip_gen: v7x
topology: tpu7x:2x2x1
jax: 0.10.2.dev20260603
libtpu: 0.0.44.dev20260713+nightly
codegen_flags: <defaults>
</compile_context>

<pallas_src>
import functools

import jax
import jax.numpy as jnp
from jax import lax
from jax.experimental import pallas as pl
from jax.experimental.pallas import tpu as pltpu
from jax.experimental.pallas import tpu_sc as plsc

_VOCAB = 512
_BATCH = 1024
_SEQ = 200
_ROWS = _BATCH * (_SEQ - 1)
_NC, _NS = 2, 16
_NW = _NC * _NS
_PER_W = _ROWS // _NW
_CHUNK = 64
_NBUF = 3
_NGROUP = _PER_W // _CHUNK // _NBUF
_NCHUNK = _NGROUP * _NBUF
_TAIL = _PER_W - _NCHUNK * _CHUNK


def _make_sc_gather():
    mesh = plsc.VectorSubcoreMesh(
        core_axis_name="c", subcore_axis_name="s",
        num_cores=_NC, num_subcores=_NS)

    @functools.partial(
        pl.kernel,
        out_type=jax.ShapeDtypeStruct((_ROWS, _VOCAB), jnp.float32),
        mesh=mesh,
        scratch_types=[
            pltpu.VMEM((_PER_W,), jnp.int32),
            pltpu.VMEM((_PER_W,), jnp.int32),
            pltpu.VMEM((_PER_W,), jnp.int32),
        ] + [pltpu.VMEM((_CHUNK, _VOCAB), jnp.float32)] * _NBUF
          + [pltpu.SemaphoreType.DMA] * (2 * _NBUF),
    )
    def sc_gather(a_hbm, b_hbm, table_hbm, out_hbm, a_v, b_v, idx_v, *rest):
        bufs = rest[:_NBUF]
        gsems = rest[_NBUF:2 * _NBUF]
        ssems = rest[2 * _NBUF:]

        wid = lax.axis_index("s") * _NC + lax.axis_index("c")
        base = pl.multiple_of(wid * _PER_W, _PER_W)
        pltpu.sync_copy(a_hbm.at[pl.ds(base, _PER_W)], a_v)
        pltpu.sync_copy(b_hbm.at[pl.ds(base, _PER_W)], b_v)

        def idx_body(i, carry):
            s = pl.ds(pl.multiple_of(i * 16, 16), 16)
            idx_v[s] = a_v[s] * _VOCAB + b_v[s]
            return carry

        lax.fori_loop(0, _PER_W // 16, idx_body, 0)

        def gather(c, b):
            off = pl.multiple_of(c * _CHUNK, _CHUNK)
            return pltpu.async_copy(
                table_hbm.at[idx_v.at[pl.ds(off, _CHUNK)]], bufs[b], gsems[b])

        def scatter(c, b):
            off = pl.multiple_of(base + c * _CHUNK, _CHUNK)
            return pltpu.async_copy(
                bufs[b], out_hbm.at[pl.ds(off, _CHUNK)], ssems[b])

        def group(g, carry):
            for b in range(_NBUF):
                c = g * _NBUF + b

                @pl.when(g > 0)
                def _(c=c, b=b):
                    off = pl.multiple_of(base + (c - _NBUF) * _CHUNK, _CHUNK)
                    pltpu.make_async_copy(
                        bufs[b], out_hbm.at[pl.ds(off, _CHUNK)],
                        ssems[b]).wait()

                gather(c, b)

            for b in range(_NBUF):
                c = g * _NBUF + b
                off = pl.multiple_of(c * _CHUNK, _CHUNK)
                pltpu.make_async_copy(
                    table_hbm.at[idx_v.at[pl.ds(off, _CHUNK)]], bufs[b],
                    gsems[b]).wait()
                scatter(c, b)

            return carry

        lax.fori_loop(0, _NGROUP, group, 0)

        tail_off = pl.multiple_of(_NCHUNK * _CHUNK, _CHUNK)
        pltpu.make_async_copy(
            bufs[0], out_hbm.at[pl.ds(base, _CHUNK)], ssems[0]).wait()
        pltpu.async_copy(
            table_hbm.at[idx_v.at[pl.ds(tail_off, _TAIL)]],
            bufs[0].at[pl.ds(0, _TAIL)], gsems[0]).wait()
        pltpu.sync_copy(bufs[0].at[pl.ds(0, _TAIL)],
                        out_hbm.at[pl.ds(base + tail_off, _TAIL)])

        for b in range(1, _NBUF):
            pltpu.make_async_copy(
                bufs[b], out_hbm.at[pl.ds(base, _CHUNK)], ssems[b]).wait()

    return sc_gather


_sc_gather = _make_sc_gather()


def kernel(x, table):
    a = x[:, :-1].T.reshape(-1)
    b = x[:, 1:].T.reshape(-1)
    logits = _sc_gather(a, b, table)
    return jnp.transpose(
        logits.reshape(_SEQ - 1, _BATCH, _VOCAB), (1, 0, 2))

# --- scband reference (transcript-rebuilt; emitter-appended) ---
"""Pipeline reference for scband-trigram-language-model-15204184228044 (READ-ONLY COPY).

The authoritative reference and input builder live on the scoring server;
editing this copy changes nothing except your own understanding.
"""

import jax, jax.numpy as jnp
import numpy as np

VOCAB = 512
BATCH = 1024
SEQ = 200


def setup_inputs(seed: int = 0) -> dict:
    key = jax.random.key(seed)
    k1, k2 = jax.random.split(key)
    x = jax.random.randint(k1, (BATCH, SEQ), 0, VOCAB, dtype=jnp.int32)
    # learned embedding table: (vocab_size*vocab_size, vocab_size)
    table = jax.random.normal(k2, (VOCAB * VOCAB, VOCAB), dtype=jnp.float32)
    return {"x": x, "table": table}


def reference(x, table):
    # trigram index: pair of consecutive tokens -> flat bigram id
    idx = x[:, :-1] * VOCAB + x[:, 1:]
    # embedding lookup -> logits over next token
    logits = jnp.take(table, idx, axis=0)
    return logits

if __name__ == "__main__":
    import jax
    _d = setup_inputs()
    print(jax.jit(kernel)(*tuple(_d.values())))

</pallas_src>

<mosaic_0001>
#map = affine_map<(d0, d1) -> (0)>
#map1 = affine_map<(d0, d1) -> (0, 0)>
module attributes {stable_mosaic.version = 14 : i64} {
  func.func @sc_gather(%arg0: i32, %arg1: i32, %arg2: memref<203776xi32, #tpu.memory_space<hbm>>, %arg3: memref<203776xi32, #tpu.memory_space<hbm>>, %arg4: memref<262144x512xf32, #tpu.memory_space<hbm>>, %arg5: memref<203776x512xf32, #tpu.memory_space<hbm>>, %arg6: memref<6368xi32, #tpu.memory_space<vmem>>, %arg7: memref<6368xi32, #tpu.memory_space<vmem>>, %arg8: memref<6368xi32, #tpu.memory_space<vmem>>, %arg9: memref<64x512xf32, #tpu.memory_space<vmem>>, %arg10: memref<64x512xf32, #tpu.memory_space<vmem>>, %arg11: memref<64x512xf32, #tpu.memory_space<vmem>>, %arg12: memref<!tpu.dma_semaphore, #tpu.memory_space<semaphore_mem>>, %arg13: memref<!tpu.dma_semaphore, #tpu.memory_space<semaphore_mem>>, %arg14: memref<!tpu.dma_semaphore, #tpu.memory_space<semaphore_mem>>, %arg15: memref<!tpu.dma_semaphore, #tpu.memory_space<semaphore_mem>>, %arg16: memref<!tpu.dma_semaphore, #tpu.memory_space<semaphore_mem>>, %arg17: memref<!tpu.dma_semaphore, #tpu.memory_space<semaphore_mem>>) attributes {dimension_semantics = [#tpu.dimension_semantics<core_parallel>, #tpu.dimension_semantics<subcore_parallel>], iteration_bounds = array<i64: 2, 16>, scalar_prefetch = 0 : i64, scratch_operands = 12 : i64, tpu.core_type = #tpu.core_type<sc_vector_subcore>, window_params = [{transform_indices = #map}, {transform_indices = #map}, {transform_indices = #map1}, {transform_indices = #map1}]} {
    %mul3A = arith.constant 2 : i32
    %mul3A_0 = arith.muli %arg1, %mul3A : i32
    %add3A = arith.addi %mul3A_0, %arg0 : i32
    %mul3A_1 = arith.constant 6368 : i32
    %mul3A_2 = arith.muli %add3A, %mul3A_1 : i32
    %multiple_of3A = tpu.assume_multiple %mul3A_2, 6368 : i32
    "tpu.region"() ({
      %run_scoped3A = tpu.sem_alloc : memref<!tpu.dma_semaphore, #tpu.memory_space<semaphore_mem>>
      %dma_start3A_41 = tpu.memref_slice %arg2[%multiple_of3A] : memref<203776xi32, #tpu.memory_space<hbm>> -> memref<6368xi32, #tpu.memory_space<hbm>>
      %dma_start3A_42 = tpu.memref_slice %arg2[%multiple_of3A] : memref<203776xi32, #tpu.memory_space<hbm>> -> memref<6368xi32, #tpu.memory_space<hbm>>
      tpu.enqueue_dma source(%dma_start3A_42 : memref<6368xi32, #tpu.memory_space<hbm>>) target(%arg6 : memref<6368xi32, #tpu.memory_space<vmem>>) target_semaphore(%run_scoped3A : memref<!tpu.dma_semaphore, #tpu.memory_space<semaphore_mem>>)
      %dma_wait3A_43 = tpu.memref_slice %arg2[%multiple_of3A] : memref<203776xi32, #tpu.memory_space<hbm>> -> memref<6368xi32, #tpu.memory_space<hbm>>
      %dma_wait3A_44 = tpu.memref_slice %arg2[%multiple_of3A] : memref<203776xi32, #tpu.memory_space<hbm>> -> memref<6368xi32, #tpu.memory_space<hbm>>
      tpu.wait_dma2 semaphore(%run_scoped3A : memref<!tpu.dma_semaphore, #tpu.memory_space<semaphore_mem>>) src(%dma_wait3A_44 : memref<6368xi32, #tpu.memory_space<hbm>>) dst(%arg6 : memref<6368xi32, #tpu.memory_space<vmem>>)
      tpu.yield
    }) : () -> ()
    "tpu.region"() ({
      %run_scoped3A = tpu.sem_alloc : memref<!tpu.dma_semaphore, #tpu.memory_space<semaphore_mem>>
      %dma_start3A_41 = tpu.memref_slice %arg3[%multiple_of3A] : memref<203776xi32, #tpu.memory_space<hbm>> -> memref<6368xi32, #tpu.memory_space<hbm>>
      %dma_start3A_42 = tpu.memref_slice %arg3[%multiple_of3A] : memref<203776xi32, #tpu.memory_space<hbm>> -> memref<6368xi32, #tpu.memory_space<hbm>>
      tpu.enqueue_dma source(%dma_start3A_42 : memref<6368xi32, #tpu.memory_space<hbm>>) target(%arg7 : memref<6368xi32, #tpu.memory_space<vmem>>) target_semaphore(%run_scoped3A : memref<!tpu.dma_semaphore, #tpu.memory_space<semaphore_mem>>)
      %dma_wait3A_43 = tpu.memref_slice %arg3[%multiple_of3A] : memref<203776xi32, #tpu.memory_space<hbm>> -> memref<6368xi32, #tpu.memory_space<hbm>>
      %dma_wait3A_44 = tpu.memref_slice %arg3[%multiple_of3A] : memref<203776xi32, #tpu.memory_space<hbm>> -> memref<6368xi32, #tpu.memory_space<hbm>>
      tpu.wait_dma2 semaphore(%run_scoped3A : memref<!tpu.dma_semaphore, #tpu.memory_space<semaphore_mem>>) src(%dma_wait3A_44 : memref<6368xi32, #tpu.memory_space<hbm>>) dst(%arg7 : memref<6368xi32, #tpu.memory_space<vmem>>)
      tpu.yield
    }) : () -> ()
    %scan3A = arith.constant 0 : i32
    %scan3A_3 = arith.constant 0 : i32
    %scan3A_4 = arith.constant 398 : i32
    %scan3A_5 = arith.addi %scan3A_3, %scan3A_4 : i32
    %scan3A_6 = arith.constant 1 : i32
    scf.for %scan3A_41 = %scan3A_3 to %scan3A_5 step %scan3A_6  : i32 {
      %mul3A_42 = arith.constant 16 : i32
      %mul3A_43 = arith.muli %scan3A_41, %mul3A_42 : i32
      %multiple_of3A_44 = tpu.assume_multiple %mul3A_43, 16 : i32
      %get3A = arith.index_cast %multiple_of3A_44 : i32 to index
      %get3A_45 = tpu.vector_load %arg6[%get3A] {strides = array<i32>} : memref<6368xi32, #tpu.memory_space<vmem>>, vector<16xi32>,
      %get3A_46 = vector.shape_cast %get3A_45 : vector<16xi32> to vector<16xi32>
      %mul3A_47 = arith.constant 512 : i32
      %mul3A_48 = vector.broadcast %mul3A_47 : i32 to vector<16xi32>
      %mul3A_49 = arith.muli %get3A_46, %mul3A_48 : vector<16xi32>
      %get3A_50 = arith.index_cast %multiple_of3A_44 : i32 to index
      %get3A_51 = tpu.vector_load %arg7[%get3A_50] {strides = array<i32>} : memref<6368xi32, #tpu.memory_space<vmem>>, vector<16xi32>,
      %get3A_52 = vector.shape_cast %get3A_51 : vector<16xi32> to vector<16xi32>
      %add3A_53 = arith.addi %mul3A_49, %get3A_52 : vector<16xi32>
      %swap3A = arith.index_cast %multiple_of3A_44 : i32 to index
      %swap3A_54 = tpu.vector_load %arg8[%swap3A] {strides = array<i32>} : memref<6368xi32, #tpu.memory_space<vmem>>, vector<16xi32>,
      %swap3A_55 = vector.shape_cast %swap3A_54 : vector<16xi32> to vector<16xi32>
      %swap3A_56 = vector.shape_cast %add3A_53 : vector<16xi32> to vector<16xi32>
      tpu.vector_store %arg8[%swap3A], %swap3A_56 {strides = array<i32>} : memref<6368xi32, #tpu.memory_space<vmem>>, vector<16xi32>,
    }
    %scan3A_7 = arith.constant 398 : i32
    %scan3A_8 = arith.constant 0 : i32
    %scan3A_9 = arith.constant 0 : i32
    %scan3A_10 = arith.constant 33 : i32
    %scan3A_11 = arith.addi %scan3A_9, %scan3A_10 : i32
    %scan3A_12 = arith.constant 1 : i32
    scf.for %scan3A_41 = %scan3A_9 to %scan3A_11 step %scan3A_12  : i32 {
      %mul3A_42 = arith.constant 3 : i32
      %mul3A_43 = arith.muli %scan3A_41, %mul3A_42 : i32
      %add3A_44 = arith.constant 0 : i32
      %add3A_45 = arith.addi %mul3A_43, %add3A_44 : i32
      %gt3A = arith.constant 0 : i32
      %gt3A_46 = arith.cmpi sgt, %scan3A_41, %gt3A : i32
      %convert_element_type3A = arith.extui %gt3A_46 : i1 to i32
      %cond3A = arith.constant 0 : i32
      %cond3A_47 = arith.cmpi ne, %convert_element_type3A, %cond3A : i32
      scf.if %cond3A_47 {
        %sub3A = arith.constant 3 : i32
        %sub3A_144 = arith.subi %add3A_45, %sub3A : i32
        %mul3A_145 = arith.constant 64 : i32
        %mul3A_146 = arith.muli %sub3A_144, %mul3A_145 : i32
        %add3A_147 = arith.addi %multiple_of3A, %mul3A_146 : i32
        %multiple_of3A_148 = tpu.assume_multiple %add3A_147, 64 : i32
        %dma_wait3A_149 = arith.constant 0 : i32
        %dma_wait3A_150 = tpu.memref_slice %arg5[%multiple_of3A_148, %dma_wait3A_149] : memref<203776x512xf32, #tpu.memory_space<hbm>> -> memref<64x512xf32, #tpu.memory_space<hbm>>
        %dma_wait3A_151 = arith.constant 0 : i32
        %dma_wait3A_152 = tpu.memref_slice %arg5[%multiple_of3A_148, %dma_wait3A_151] : memref<203776x512xf32, #tpu.memory_space<hbm>> -> memref<64x512xf32, #tpu.memory_space<hbm>>
        tpu.wait_dma2 semaphore(%arg15 : memref<!tpu.dma_semaphore, #tpu.memory_space<semaphore_mem>>) src(%arg9 : memref<64x512xf32, #tpu.memory_space<vmem>>) dst(%dma_wait3A_152 : memref<64x512xf32, #tpu.memory_space<hbm>>)
      } else {
      }
      %mul3A_48 = arith.constant 64 : i32
      %mul3A_49 = arith.muli %add3A_45, %mul3A_48 : i32
      %multiple_of3A_50 = tpu.assume_multiple %mul3A_49, 64 : i32
      %dma_start3A_51 = tpu.memref_slice %arg8[%multiple_of3A_50] : memref<6368xi32, #tpu.memory_space<vmem>> -> memref<64xi32, #tpu.memory_space<vmem>>
      %dma_start3A_52 = arith.constant 0 : i32
      %dma_start3A_53 = arith.constant 0 : i32
      %dma_start3A_54 = tpu.memref_slice %arg4[%dma_start3A_52, %dma_start3A_53] : memref<262144x512xf32, #tpu.memory_space<hbm>> -> memref<262144x512xf32, #tpu.memory_space<hbm>>
      tpu.enqueue_indirect_dma source(%dma_start3A_54 : memref<262144x512xf32, #tpu.memory_space<hbm>>) target(%arg9 : memref<64x512xf32, #tpu.memory_space<vmem>>) offsets(%dma_start3A_51 : memref<64xi32, #tpu.memory_space<vmem>>) semaphore(%arg12 : memref<!tpu.dma_semaphore, #tpu.memory_space<semaphore_mem>>)
      %mul3A_55 = arith.constant 3 : i32
      %mul3A_56 = arith.muli %scan3A_41, %mul3A_55 : i32
      %add3A_57 = arith.constant 1 : i32
      %add3A_58 = arith.addi %mul3A_56, %add3A_57 : i32
      %gt3A_59 = arith.constant 0 : i32
      %gt3A_60 = arith.cmpi sgt, %scan3A_41, %gt3A_59 : i32
      %convert_element_type3A_61 = arith.extui %gt3A_60 : i1 to i32
      %cond3A_62 = arith.constant 0 : i32
      %cond3A_63 = arith.cmpi ne, %convert_element_type3A_61, %cond3A_62 : i32
      scf.if %cond3A_63 {
        %sub3A = arith.constant 3 : i32
        %sub3A_144 = arith.subi %add3A_58, %sub3A : i32
        %mul3A_145 = arith.constant 64 : i32
        %mul3A_146 = arith.muli %sub3A_144, %mul3A_145 : i32
        %add3A_147 = arith.addi %multiple_of3A, %mul3A_146 : i32
        %multiple_of3A_148 = tpu.assume_multiple %add3A_147, 64 : i32
        %dma_wait3A_149 = arith.constant 0 : i32
        %dma_wait3A_150 = tpu.memref_slice %arg5[%multiple_of3A_148, %dma_wait3A_149] : memref<203776x512xf32, #tpu.memory_space<hbm>> -> memref<64x512xf32, #tpu.memory_space<hbm>>
        %dma_wait3A_151 = arith.constant 0 : i32
        %dma_wait3A_152 = tpu.memref_slice %arg5[%multiple_of3A_148, %dma_wait3A_151] : memref<203776x512xf32, #tpu.memory_space<hbm>> -> memref<64x512xf32, #tpu.memory_space<hbm>>
        tpu.wait_dma2 semaphore(%arg16 : memref<!tpu.dma_semaphore, #tpu.memory_space<semaphore_mem>>) src(%arg10 : memref<64x512xf32, #tpu.memory_space<vmem>>) dst(%dma_wait3A_152 : memref<64x512xf32, #tpu.memory_space<hbm>>)
      } else {
      }
      %mul3A_64 = arith.constant 64 : i32
      %mul3A_65 = arith.muli %add3A_58, %mul3A_64 : i32
      %multiple_of3A_66 = tpu.assume_multiple %mul3A_65, 64 : i32
      %dma_start3A_67 = tpu.memref_slice %arg8[%multiple_of3A_66] : memref<6368xi32, #tpu.memory_space<vmem>> -> memref<64xi32, #tpu.memory_space<vmem>>
      %dma_start3A_68 = arith.constant 0 : i32
      %dma_start3A_69 = arith.constant 0 : i32
      %dma_start3A_70 = tpu.memref_slice %arg4[%dma_start3A_68, %dma_start3A_69] : memref<262144x512xf32, #tpu.memory_space<hbm>> -> memref<262144x512xf32, #tpu.memory_space<hbm>>
      tpu.enqueue_indirect_dma source(%dma_start3A_70 : memref<262144x512xf32, #tpu.memory_space<hbm>>) target(%arg10 : memref<64x512xf32, #tpu.memory_space<vmem>>) offsets(%dma_start3A_67 : memref<64xi32, #tpu.memory_space<vmem>>) semaphore(%arg13 : memref<!tpu.dma_semaphore, #tpu.memory_space<semaphore_mem>>)
      %mul3A_71 = arith.constant 3 : i32
      %mul3A_72 = arith.muli %scan3A_41, %mul3A_71 : i32
      %add3A_73 = arith.constant 2 : i32
      %add3A_74 = arith.addi %mul3A_72, %add3A_73 : i32
      %gt3A_75 = arith.constant 0 : i32
      %gt3A_76 = arith.cmpi sgt, %scan3A_41, %gt3A_75 : i32
      %convert_element_type3A_77 = arith.extui %gt3A_76 : i1 to i32
      %cond3A_78 = arith.constant 0 : i32
      %cond3A_79 = arith.cmpi ne, %convert_element_type3A_77, %cond3A_78 : i32
      scf.if %cond3A_79 {
        %sub3A = arith.constant 3 : i32
        %sub3A_144 = arith.subi %add3A_74, %sub3A : i32
        %mul3A_145 = arith.constant 64 : i32
        %mul3A_146 = arith.muli %sub3A_144, %mul3A_145 : i32
        %add3A_147 = arith.addi %multiple_of3A, %mul3A_146 : i32
        %multiple_of3A_148 = tpu.assume_multiple %add3A_147, 64 : i32
        %dma_wait3A_149 = arith.constant 0 : i32
        %dma_wait3A_150 = tpu.memref_slice %arg5[%multiple_of3A_148, %dma_wait3A_149] : memref<203776x512xf32, #tpu.memory_space<hbm>> -> memref<64x512xf32, #tpu.memory_space<hbm>>
        %dma_wait3A_151 = arith.constant 0 : i32
        %dma_wait3A_152 = tpu.memref_slice %arg5[%multiple_of3A_148, %dma_wait3A_151] : memref<203776x512xf32, #tpu.memory_space<hbm>> -> memref<64x512xf32, #tpu.memory_space<hbm>>
        tpu.wait_dma2 semaphore(%arg17 : memref<!tpu.dma_semaphore, #tpu.memory_space<semaphore_mem>>) src(%arg11 : memref<64x512xf32, #tpu.memory_space<vmem>>) dst(%dma_wait3A_152 : memref<64x512xf32, #tpu.memory_space<hbm>>)
      } else {
      }
      %mul3A_80 = arith.constant 64 : i32
      %mul3A_81 = arith.muli %add3A_74, %mul3A_80 : i32
      %multiple_of3A_82 = tpu.assume_multiple %mul3A_81, 64 : i32
      %dma_start3A_83 = tpu.memref_slice %arg8[%multiple_of3A_82] : memref<6368xi32, #tpu.memory_space<vmem>> -> memref<64xi32, #tpu.memory_space<vmem>>
      %dma_start3A_84 = arith.constant 0 : i32
      %dma_start3A_85 = arith.constant 0 : i32
      %dma_start3A_86 = tpu.memref_slice %arg4[%dma_start3A_84, %dma_start3A_85] : memref<262144x512xf32, #tpu.memory_space<hbm>> -> memref<262144x512xf32, #tpu.memory_space<hbm>>
      tpu.enqueue_indirect_dma source(%dma_start3A_86 : memref<262144x512xf32, #tpu.memory_space<hbm>>) target(%arg11 : memref<64x512xf32, #tpu.memory_space<vmem>>) offsets(%dma_start3A_83 : memref<64xi32, #tpu.memory_space<vmem>>) semaphore(%arg14 : memref<!tpu.dma_semaphore, #tpu.memory_space<semaphore_mem>>)
      %mul3A_87 = arith.constant 3 : i32
      %mul3A_88 = arith.muli %scan3A_41, %mul3A_87 : i32
      %add3A_89 = arith.constant 0 : i32
      %add3A_90 = arith.addi %mul3A_88, %add3A_89 : i32
      %mul3A_91 = arith.constant 64 : i32
      %mul3A_92 = arith.muli %add3A_90, %mul3A_91 : i32
      %multiple_of3A_93 = tpu.assume_multiple %mul3A_92, 64 : i32
      %dma_wait3A_94 = tpu.memref_slice %arg8[%multiple_of3A_93] : memref<6368xi32, #tpu.memory_space<vmem>> -> memref<64xi32, #tpu.memory_space<vmem>>
      %dma_wait3A_95 = arith.constant 0 : i32
      %dma_wait3A_96 = arith.constant 0 : i32
      %dma_wait3A_97 = tpu.memref_slice %arg4[%dma_wait3A_95, %dma_wait3A_96] : memref<262144x512xf32, #tpu.memory_space<hbm>> -> memref<262144x512xf32, #tpu.memory_space<hbm>>
      tpu.wait_indirect_dma semaphore(%arg12 : memref<!tpu.dma_semaphore, #tpu.memory_space<semaphore_mem>>) src(%dma_wait3A_97 : memref<262144x512xf32, #tpu.memory_space<hbm>>) dst(%arg9 : memref<64x512xf32, #tpu.memory_space<vmem>>)
      %mul3A_98 = arith.constant 64 : i32
      %mul3A_99 = arith.muli %add3A_90, %mul3A_98 : i32
      %add3A_100 = arith.addi %multiple_of3A, %mul3A_99 : i32
      %multiple_of3A_101 = tpu.assume_multiple %add3A_100, 64 : i32
      %dma_start3A_102 = arith.constant 0 : i32
      %dma_start3A_103 = tpu.memref_slice %arg5[%multiple_of3A_101, %dma_start3A_102] : memref<203776x512xf32, #tpu.memory_space<hbm>> -> memref<64x512xf32, #tpu.memory_space<hbm>>
      %dma_start3A_104 = arith.constant 0 : i32
      %dma_start3A_105 = tpu.memref_slice %arg5[%multiple_of3A_101, %dma_start3A_104] : memref<203776x512xf32, #tpu.memory_space<hbm>> -> memref<64x512xf32, #tpu.memory_space<hbm>>
      tpu.enqueue_dma source(%arg9 : memref<64x512xf32, #tpu.memory_space<vmem>>) target(%dma_start3A_105 : memref<64x512xf32, #tpu.memory_space<hbm>>) target_semaphore(%arg15 : memref<!tpu.dma_semaphore, #tpu.memory_space<semaphore_mem>>)
      %mul3A_106 = arith.constant 3 : i32
      %mul3A_107 = arith.muli %scan3A_41, %mul3A_106 : i32
      %add3A_108 = arith.constant 1 : i32
      %add3A_109 = arith.addi %mul3A_107, %add3A_108 : i32
      %mul3A_110 = arith.constant 64 : i32
      %mul3A_111 = arith.muli %add3A_109, %mul3A_110 : i32
      %multiple_of3A_112 = tpu.assume_multiple %mul3A_111, 64 : i32
      %dma_wait3A_113 = tpu.memref_slice %arg8[%multiple_of3A_112] : memref<6368xi32, #tpu.memory_space<vmem>> -> memref<64xi32, #tpu.memory_space<vmem>>
      %dma_wait3A_114 = arith.constant 0 : i32
      %dma_wait3A_115 = arith.constant 0 : i32
      %dma_wait3A_116 = tpu.memref_slice %arg4[%dma_wait3A_114, %dma_wait3A_115] : memref<262144x512xf32, #tpu.memory_space<hbm>> -> memref<262144x512xf32, #tpu.memory_space<hbm>>
      tpu.wait_indirect_dma semaphore(%arg13 : memref<!tpu.dma_semaphore, #tpu.memory_space<semaphore_mem>>) src(%dma_wait3A_116 : memref<262144x512xf32, #tpu.memory_space<hbm>>) dst(%arg10 : memref<64x512xf32, #tpu.memory_space<vmem>>)
      %mul3A_117 = arith.constant 64 : i32
      %mul3A_118 = arith.muli %add3A_109, %mul3A_117 : i32
      %add3A_119 = arith.addi %multiple_of3A, %mul3A_118 : i32
      %multiple_of3A_120 = tpu.assume_multiple %add3A_119, 64 : i32
      %dma_start3A_121 = arith.constant 0 : i32
      %dma_start3A_122 = tpu.memref_slice %arg5[%multiple_of3A_120, %dma_start3A_121] : memref<203776x512xf32, #tpu.memory_space<hbm>> -> memref<64x512xf32, #tpu.memory_space<hbm>>
      %dma_start3A_123 = arith.constant 0 : i32
      %dma_start3A_124 = tpu.memref_slice %arg5[%multiple_of3A_120, %dma_start3A_123] : memref<203776x512xf32, #tpu.memory_space<hbm>> -> memref<64x512xf32, #tpu.memory_space<hbm>>
      tpu.enqueue_dma source(%arg10 : memref<64x512xf32, #tpu.memory_space<vmem>>) target(%dma_start3A_124 : memref<64x512xf32, #tpu.memory_space<hbm>>) target_semaphore(%arg16 : memref<!tpu.dma_semaphore, #tpu.memory_space<semaphore_mem>>)
      %mul3A_125 = arith.constant 3 : i32
      %mul3A_126 = arith.muli %scan3A_41, %mul3A_125 : i32
      %add3A_127 = arith.constant 2 : i32
      %add3A_128 = arith.addi %mul3A_126, %add3A_127 : i32
      %mul3A_129 = arith.constant 64 : i32
      %mul3A_130 = arith.muli %add3A_128, %mul3A_129 : i32
      %multiple_of3A_131 = tpu.assume_multiple %mul3A_130, 64 : i32
      %dma_wait3A_132 = tpu.memref_slice %arg8[%multiple_of3A_131] : memref<6368xi32, #tpu.memory_space<vmem>> -> memref<64xi32, #tpu.memory_space<vmem>>
      %dma_wait3A_133 = arith.constant 0 : i32
      %dma_wait3A_134 = arith.constant 0 : i32
      %dma_wait3A_135 = tpu.memref_slice %arg4[%dma_wait3A_133, %dma_wait3A_134] : memref<262144x512xf32, #tpu.memory_space<hbm>> -> memref<262144x512xf32, #tpu.memory_space<hbm>>
      tpu.wait_indirect_dma semaphore(%arg14 : memref<!tpu.dma_semaphore, #tpu.memory_space<semaphore_mem>>) src(%dma_wait3A_135 : memref<262144x512xf32, #tpu.memory_space<hbm>>) dst(%arg11 : memref<64x512xf32, #tpu.memory_space<vmem>>)
      %mul3A_136 = arith.constant 64 : i32
      %mul3A_137 = arith.muli %add3A_128, %mul3A_136 : i32
      %add3A_138 = arith.addi %multiple_of3A, %mul3A_137 : i32
      %multiple_of3A_139 = tpu.assume_multiple %add3A_138, 64 : i32
      %dma_start3A_140 = arith.constant 0 : i32
      %dma_start3A_141 = tpu.memref_slice %arg5[%multiple_of3A_139, %dma_start3A_140] : memref<203776x512xf32, #tpu.memory_space<hbm>> -> memref<64x512xf32, #tpu.memory_space<hbm>>
      %dma_start3A_142 = arith.constant 0 : i32
      %dma_start3A_143 = tpu.memref_slice %arg5[%multiple_of3A_139, %dma_start3A_142] : memref<203776x512xf32, #tpu.memory_space<hbm>> -> memref<64x512xf32, #tpu.memory_space<hbm>>
      tpu.enqueue_dma source(%arg11 : memref<64x512xf32, #tpu.memory_space<vmem>>) target(%dma_start3A_143 : memref<64x512xf32, #tpu.memory_space<hbm>>) target_semaphore(%arg17 : memref<!tpu.dma_semaphore, #tpu.memory_space<semaphore_mem>>)
    }
    %scan3A_13 = arith.constant 33 : i32
    %multiple_of3A_14 = arith.constant 6336 : i32
    %multiple_of3A_15 = tpu.assume_multiple %multiple_of3A_14, 64 : i32
    %dma_wait3A = arith.constant 0 : i32
    %dma_wait3A_16 = tpu.memref_slice %arg5[%multiple_of3A, %dma_wait3A] : memref<203776x512xf32, #tpu.memory_space<hbm>> -> memref<64x512xf32, #tpu.memory_space<hbm>>
    %dma_wait3A_17 = arith.constant 0 : i32
    %dma_wait3A_18 = tpu.memref_slice %arg5[%multiple_of3A, %dma_wait3A_17] : memref<203776x512xf32, #tpu.memory_space<hbm>> -> memref<64x512xf32, #tpu.memory_space<hbm>>
    tpu.wait_dma2 semaphore(%arg15 : memref<!tpu.dma_semaphore, #tpu.memory_space<semaphore_mem>>) src(%arg9 : memref<64x512xf32, #tpu.memory_space<vmem>>) dst(%dma_wait3A_18 : memref<64x512xf32, #tpu.memory_space<hbm>>)
    %dma_start3A = arith.constant 0 : i32
    %dma_start3A_19 = arith.constant 0 : i32
    %dma_start3A_20 = tpu.memref_slice %arg9[%dma_start3A, %dma_start3A_19] : memref<64x512xf32, #tpu.memory_space<vmem>> -> memref<32x512xf32, #tpu.memory_space<vmem>>
    %dma_start3A_21 = tpu.memref_slice %arg8[%multiple_of3A_15] : memref<6368xi32, #tpu.memory_space<vmem>> -> memref<32xi32, #tpu.memory_space<vmem>>
    %dma_start3A_22 = arith.constant 0 : i32
    %dma_start3A_23 = arith.constant 0 : i32
    %dma_start3A_24 = tpu.memref_slice %arg4[%dma_start3A_22, %dma_start3A_23] : memref<262144x512xf32, #tpu.memory_space<hbm>> -> memref<262144x512xf32, #tpu.memory_space<hbm>>
    tpu.enqueue_indirect_dma source(%dma_start3A_24 : memref<262144x512xf32, #tpu.memory_space<hbm>>) target(%dma_start3A_20 : memref<32x512xf32, #tpu.memory_space<vmem>>) offsets(%dma_start3A_21 : memref<32xi32, #tpu.memory_space<vmem>>) semaphore(%arg12 : memref<!tpu.dma_semaphore, #tpu.memory_space<semaphore_mem>>)
    %dma_wait3A_25 = arith.constant 0 : i32
    %dma_wait3A_26 = arith.constant 0 : i32
    %dma_wait3A_27 = tpu.memref_slice %arg9[%dma_wait3A_25, %dma_wait3A_26] : memref<64x512xf32, #tpu.memory_space<vmem>> -> memref<32x512xf32, #tpu.memory_space<vmem>>
    %dma_wait3A_28 = tpu.memref_slice %arg8[%multiple_of3A_15] : memref<6368xi32, #tpu.memory_space<vmem>> -> memref<32xi32, #tpu.memory_space<vmem>>
    %dma_wait3A_29 = arith.constant 0 : i32
    %dma_wait3A_30 = arith.constant 0 : i32
    %dma_wait3A_31 = tpu.memref_slice %arg4[%dma_wait3A_29, %dma_wait3A_30] : memref<262144x512xf32, #tpu.memory_space<hbm>> -> memref<262144x512xf32, #tpu.memory_space<hbm>>
    tpu.wait_indirect_dma semaphore(%arg12 : memref<!tpu.dma_semaphore, #tpu.memory_space<semaphore_mem>>) src(%dma_wait3A_31 : memref<262144x512xf32, #tpu.memory_space<hbm>>) dst(%dma_wait3A_27 : memref<32x512xf32, #tpu.memory_space<vmem>>)
    %add3A_32 = arith.addi %multiple_of3A, %multiple_of3A_15 : i32
    "tpu.region"() ({
      %run_scoped3A = tpu.sem_alloc : memref<!tpu.dma_semaphore, #tpu.memory_space<semaphore_mem>>
      %dma_start3A_41 = arith.constant 0 : i32
      %dma_start3A_42 = arith.constant 0 : i32
      %dma_start3A_43 = tpu.memref_slice %arg9[%dma_start3A_41, %dma_start3A_42] : memref<64x512xf32, #tpu.memory_space<vmem>> -> memref<32x512xf32, #tpu.memory_space<vmem>>
      %dma_start3A_44 = arith.constant 0 : i32
      %dma_start3A_45 = tpu.memref_slice %arg5[%add3A_32, %dma_start3A_44] : memref<203776x512xf32, #tpu.memory_space<hbm>> -> memref<32x512xf32, #tpu.memory_space<hbm>>
      %dma_start3A_46 = arith.constant 0 : i32
      %dma_start3A_47 = tpu.memref_slice %arg5[%add3A_32, %dma_start3A_46] : memref<203776x512xf32, #tpu.memory_space<hbm>> -> memref<32x512xf32, #tpu.memory_space<hbm>>
      %dma_start3A_48 = arith.constant 0 : i32
      %dma_start3A_49 = arith.constant 0 : i32
      %dma_start3A_50 = tpu.memref_slice %arg9[%dma_start3A_48, %dma_start3A_49] : memref<64x512xf32, #tpu.memory_space<vmem>> -> memref<32x512xf32, #tpu.memory_space<vmem>>
      tpu.enqueue_dma source(%dma_start3A_50 : memref<32x512xf32, #tpu.memory_space<vmem>>) target(%dma_start3A_47 : memref<32x512xf32, #tpu.memory_space<hbm>>) target_semaphore(%run_scoped3A : memref<!tpu.dma_semaphore, #tpu.memory_space<semaphore_mem>>)
      %dma_wait3A_51 = arith.constant 0 : i32
      %dma_wait3A_52 = arith.constant 0 : i32
      %dma_wait3A_53 = tpu.memref_slice %arg9[%dma_wait3A_51, %dma_wait3A_52] : memref<64x512xf32, #tpu.memory_space<vmem>> -> memref<32x512xf32, #tpu.memory_space<vmem>>
      %dma_wait3A_54 = arith.constant 0 : i32
      %dma_wait3A_55 = tpu.memref_slice %arg5[%add3A_32, %dma_wait3A_54] : memref<203776x512xf32, #tpu.memory_space<hbm>> -> memref<32x512xf32, #tpu.memory_space<hbm>>
      %dma_wait3A_56 = arith.constant 0 : i32
      %dma_wait3A_57 = tpu.memref_slice %arg5[%add3A_32, %dma_wait3A_56] : memref<203776x512xf32, #tpu.memory_space<hbm>> -> memref<32x512xf32, #tpu.memory_space<hbm>>
      %dma_wait3A_58 = arith.constant 0 : i32
      %dma_wait3A_59 = arith.constant 0 : i32
      %dma_wait3A_60 = tpu.memref_slice %arg9[%dma_wait3A_58, %dma_wait3A_59] : memref<64x512xf32, #tpu.memory_space<vmem>> -> memref<32x512xf32, #tpu.memory_space<vmem>>
      tpu.wait_dma2 semaphore(%run_scoped3A : memref<!tpu.dma_semaphore, #tpu.memory_space<semaphore_mem>>) src(%dma_wait3A_60 : memref<32x512xf32, #tpu.memory_space<vmem>>) dst(%dma_wait3A_57 : memref<32x512xf32, #tpu.memory_space<hbm>>)
      tpu.yield
    }) : () -> ()
    %dma_wait3A_33 = arith.constant 0 : i32
    %dma_wait3A_34 = tpu.memref_slice %arg5[%multiple_of3A, %dma_wait3A_33] : memref<203776x512xf32, #tpu.memory_space<hbm>> -> memref<64x512xf32, #tpu.memory_space<hbm>>
    %dma_wait3A_35 = arith.constant 0 : i32
    %dma_wait3A_36 = tpu.memref_slice %arg5[%multiple_of3A, %dma_wait3A_35] : memref<203776x512xf32, #tpu.memory_space<hbm>> -> memref<64x512xf32, #tpu.memory_space<hbm>>
    tpu.wait_dma2 semaphore(%arg16 : memref<!tpu.dma_semaphore, #tpu.memory_space<semaphore_mem>>) src(%arg10 : memref<64x512xf32, #tpu.memory_space<vmem>>) dst(%dma_wait3A_36 : memref<64x512xf32, #tpu.memory_space<hbm>>)
    %dma_wait3A_37 = arith.constant 0 : i32
    %dma_wait3A_38 = tpu.memref_slice %arg5[%multiple_of3A, %dma_wait3A_37] : memref<203776x512xf32, #tpu.memory_space<hbm>> -> memref<64x512xf32, #tpu.memory_space<hbm>>
    %dma_wait3A_39 = arith.constant 0 : i32
    %dma_wait3A_40 = tpu.memref_slice %arg5[%multiple_of3A, %dma_wait3A_39] : memref<203776x512xf32, #tpu.memory_space<hbm>> -> memref<64x512xf32, #tpu.memory_space<hbm>>
    tpu.wait_dma2 semaphore(%arg17 : memref<!tpu.dma_semaphore, #tpu.memory_space<semaphore_mem>>) src(%arg11 : memref<64x512xf32, #tpu.memory_space<vmem>>) dst(%dma_wait3A_40 : memref<64x512xf32, #tpu.memory_space<hbm>>)
    return
  }
}

</mosaic_0001>

<sc_bundles>
// kernel: kernel.3.cloned.1.call-start
scs
__scs_entry_jumppad:
0x0: {  	(pc) =	sbr.rel $0x88, $3  }
0x1: {  	(tag) =	ssettag $0x0;
	lr =	simm.s32 $0x1  }
0x2: {  	[smem:$0x3F9F] =	sst lr;
	_ =	strace $0xD0000000  }
0x3: {  	_ = 	snop  }
0x4: {  	_ = 	snop  }
0x5: {  	_ = 	snop  }
0x6: {  	_ = 	snop  }
0x7: {  	_ = 	snop  }
__scs_overlays_trampoline_lowered:
0x8: {  	[smem:$0x3FAE] =	sst s0  }
0x9: {  	[smem:$0x3FAF] =	sst s1  }
0xa: {  	[smem:$0x3FB0] =	sst s2  }
0xb: {  	[smem:$0x3FB1] =	sst s3  }
0xc: {  	[smem:$0x3FB2] =	sst s4  }
0xd: {  	[smem:$0x3FB3] =	sst s5  }
0xe: {  	[smem:$0x3FB4] =	sst s6  }
0xf: {  	[smem:$0x3FB5] =	sst s7  }
0x10: {  	[smem:$0x3FB6] =	sst s8  }
0x11: {  	[smem:$0x3FB7] =	sst s9;
	s0 =	simm.s32 @!p0 $0x0  }
0x12: {  	s1 =	sld [smem:$0x3F9D];
	s0 =	simm.s32 @p0 $0x1  }
0x13: {  	[smem:$0x3FB8] =	sst s0;
	s0 =	simm.s32 @!p1 $0x0  }
0x14: {  	s2 =	sld [smem:$0x3F9C];
	s0 =	simm.s32 @p1 $0x1  }
0x15: {  	[smem:$0x3FB9] =	sst s0;
	s0 =	simm.s32 @!p2 $0x0  }
0x16: {  	s3 =	sld [smem:$0x3FDB];
	s0 =	simm.s32 @p2 $0x1  }
0x17: {  	s4 =	simm.s32 $0x1BF5;
	[smem:$0x3FBB] =	sst s0  }
0x18: {  	s0 =	sld [smem:$0x3F9E];
	_ =	swait.ge [sflag:s4], $0x0  }
0x19: {  	s7 =	sld [smem:$0x3F9F]  }
0x1a: {  	s8 =	sadd.s32 $0xFFFFE003, lr  }
0x1b: {  	s9 =	sadd.s32 $0xFFFFFEF7, lr;
	s5 =	simm.s32 $0xFFFFFFFF;
	p2 =	slt.u32 s8, $0xFFFFF086  }
0x1c: {  	p1 =	slt.u32 s9, $0xF7A;
	s5 =	simm.s32 @!p2 $0x0  }
0x1d: {  	s5 =	simm.s32 @p1 $0x1;
	p0 =	seq.s32 s7, s2  }
0x1e: {  	s7 =	smul.u32 @!p0 $0xF7A, s2;
	p2 =	seq.s32 @!p0 s5, $0x0  }
0x1f: {  	s9 =	smul.u32 $0xF7A, s1;
	s8 =	simm.s32 @!p0 $0x1BF5;
	p2 =	por !p2, p0  }
0x20: {  	[sflag:s8] =	ssyncset.s32 @!p0 $0xFFFFF086;
	s6 =	sadd.s32 @!p0 s3, s7;
	s7 =	simm.s32 @!p0 $0x108  }
0x21: {  	s3 =	sadd.s32 s3, s9;
	s6 =	sadd.s32 @!p0 $0x88, s6;
	s7 =	simm.s32 @p2 $0x1082  }
0x22: {  	[simem:s7], [sflag:s8] =	dma.local @!p0 [hbm:s6], $0xF7A  }
0x23: {  	s9 =	sor.u32 $0xD0000000, s2;
	s6 =	simm.s32 $0x108;
	_ =	swait.ge @!p0 [sflag:s8], $0x0  }
0x24: {  	s3 =	sadd.s32 $0x88, s3;
	s6 =	simm.s32 @!p1 $0x1082;
	[sflag:s4] =	ssyncset.s32 $0xFFFFF086  }
0x25: {  	[simem:s6], [sflag:s4] =	dma.local [hbm:s3], $0xF7A  }
0x26: {  	[smem:$0x3F9F] =	sst s1;
	(tag) =	ssettag s2;
	_ =	strace s9  }
0x27: {  	s1 =	sld [smem:$0x3FAF]  }
0x28: {  	s2 =	sld [smem:$0x3FB0]  }
0x29: {  	s4 =	sld [smem:$0x3FB2]  }
0x2a: {  	p0 =	seq.s32 s5, $0x0;
	s5 =	sld [smem:$0x3FB3]  }
0x2b: {  	s6 =	sld [smem:$0x3FB4]  }
0x2c: {  	s7 =	sld [smem:$0x3FB5]  }
0x2d: {  	s3 =	simm.s32 $0x108;
	s8 =	sld [smem:$0x3FB6]  }
0x2e: {  	s3 =	simm.s32 @!p0 $0x1082;
	s9 =	sld [smem:$0x3FB7]  }
0x2f: {  	lr =	sadd.s32 s0, s3;
	s0 =	sld [smem:$0x3FAE]  }
0x30: {  	s3 =	sld [smem:$0x3FB1]  }
0x31: {  	[smem:$0x3FBA] =	sst s10  }
0x32: {  	s10 =	sld [smem:$0x3FB8];
	_ =	sdelay $0x3  }
0x33: {  	p0 =	seq.s32 s10, $0x1;
	s10 =	sld [smem:$0x3FBA];
	_ =	sdelay $0x3  }
0x34: {  	[smem:$0x3FBA] =	sst s10  }
0x35: {  	s10 =	sld [smem:$0x3FB9];
	_ =	sdelay $0x3  }
0x36: {  	p1 =	seq.s32 s10, $0x1;
	s10 =	sld [smem:$0x3FBA];
	_ =	sdelay $0x3  }
0x37: {  	[smem:$0x3FBA] =	sst s10  }
0x38: {  	s10 =	sld [smem:$0x3FBB]  }
0x39: {  	_ = 	snop;
	(pc) =	sbr.ind lr, $3  }
0x3a: {  	_ = 	snop  }
0x3b: {  	_ = 	snop  }
0x3c: {  	p2 =	seq.s32 s10, $0x1;
	s10 =	sld [smem:$0x3FBA]  }
0x3d: {  	_ =	shalt  }
0x3e: {  	_ =	shalt  }
0x3f: {  	_ =	shalt  }
0x40: {  	_ =	shalt  }
0x41: {  	_ =	shalt  }
0x42: {  	_ =	shalt  }
0x43: {  	_ =	shalt  }
0x44: {  	_ =	shalt  }
0x45: {  	_ =	shalt  }
0x46: {  	_ =	shalt  }
0x47: {  	_ =	shalt  }
0x48: {  	_ =	shalt  }
0x49: {  	_ =	shalt  }
0x4a: {  	_ =	shalt  }
0x4b: {  	_ =	shalt  }
0x4c: {  	_ =	shalt  }
0x4d: {  	_ =	shalt  }
0x4e: {  	_ =	shalt  }
0x4f: {  	_ =	shalt  }
0x50: {  	_ =	shalt  }
0x51: {  	_ =	shalt  }
0x52: {  	_ =	shalt  }
0x53: {  	_ =	shalt  }
0x54: {  	_ =	shalt  }
0x55: {  	_ =	shalt  }
0x56: {  	_ =	shalt  }
0x57: {  	_ =	shalt  }
0x58: {  	_ =	shalt  }
0x59: {  	_ =	shalt  }
0x5a: {  	_ =	shalt  }
0x5b: {  	_ =	shalt  }
0x5c: {  	_ =	shalt  }
0x5d: {  	_ =	shalt  }
0x5e: {  	_ =	shalt  }
0x5f: {  	_ =	shalt  }
0x60: {  	_ =	shalt  }
0x61: {  	_ =	shalt  }
0x62: {  	_ =	shalt  }
0x63: {  	_ =	shalt  }
0x64: {  	_ =	shalt  }
0x65: {  	_ =	shalt  }
0x66: {  	_ =	shalt  }
0x67: {  	_ =	shalt  }
0x68: {  	_ =	shalt  }
0x69: {  	_ =	shalt  }
0x6a: {  	_ =	shalt  }
0x6b: {  	_ =	shalt  }
0x6c: {  	_ =	shalt  }
0x6d: {  	_ =	shalt  }
0x6e: {  	_ =	shalt  }
0x6f: {  	_ =	shalt  }
0x70: {  	_ =	shalt  }
0x71: {  	_ =	shalt  }
0x72: {  	_ =	shalt  }
0x73: {  	_ =	shalt  }
0x74: {  	_ =	shalt  }
0x75: {  	_ =	shalt  }
0x76: {  	_ =	shalt  }
0x77: {  	_ =	shalt  }
0x78: {  	_ =	shalt  }
0x79: {  	_ =	shalt  }
0x7a: {  	_ =	shalt  }
0x7b: {  	_ =	shalt  }
0x7c: {  	_ =	shalt  }
0x7d: {  	_ =	shalt  }
0x7e: {  	_ =	shalt  }
0x7f: {  	_ =	shalt  }
0x80: {  	_ =	shalt  }
0x81: {  	_ =	shalt  }
0x82: {  	_ =	shalt  }
0x83: {  	_ =	shalt  }
0x84: {  	_ =	shalt  }
0x85: {  	_ =	shalt  }
0x86: {  	_ =	shalt  }
0x87: {  	_ =	shalt  }
.Lfunc_end0:
.L_simem_size_0:
called_computation_lowered:
.L_overlay_start_0:
0x88: {  	s2 =	sld [smem:$0x3FD9]  }
0x89: {  	s3 =	sld [smem:$0x3FFE];
	_ =	sdelay $0x1  }
0x8a: {  	s1 =	srdreg.scid  }
0x8b: {  	s0 =	sand.u32 $0x1, s1  }
0x8c: {  	s17 =	sshll.u32 s0, $0xA;
	s2 =	sadd.s32 s3, s2  }
0x8d: {  	s2 =	sadd.s32 s2, s17  }
0x8e: {  	[smem:$0x3FC6] =	sst s2  }
0x8f: {  	_ = 	snop  }
0x90: {  	s2 =	sld [smem:$0x3FC8]  }
0x91: {  	s18 =	sld [smem:$0x3FD0];
	(tm) =	ssettm $0x1  }
0x92: {  	s4 =	sld [smem:$0x3FFB];
	_ =	sdelay $0x3  }
0x93: {  	_ =	strace s4  }
0x94: {  	s4 =	sld [smem:$0x3FFC];
	_ =	sdelay $0x3  }
0x95: {  	_ =	strace s4  }
0x96: {  	s4 =	sld [smem:$0x3FFD];
	_ =	sdelay $0x3  }
0x97: {  	_ =	strace s4  }
0x98: {  	_ =	strace $0x8FFFFFFF  }
0x99: {  	s19 =	sld [smem:$0x3FDB];
	_ =	sdelay $0x1  }
0x9a: {  	s5 =	simm.s32 $_scs_section_size  }
0x9b: {  	s6 =	simm.s32 $_size__tile_overlayer_lowered;
	s7 =	simm.s32 $_tile_overlayer_lowered  }
0x9c: {  	s22 =	simm.s32 $0x1BFF;
	s21 =	sshll.u32 s7, $0x1;
	s4 =	sadd.s32 s5, s19  }
0x9d: {  	s8 =	simm.s32 $0x0;
	s20 =	sshll.u32 s6, $0x1;
	s6 =	sadd.s32 s21, s4  }
0x9e: {  	[timem:s8], [sflag:s22] =	dma.local [hbm:s6], s20  }
0x9f: {  	_ =	swait.ge [sflag:s22], s20  }
0xa0: {  	s5 =	ssub.s32 $0x0, s20;
	[sflag:s22] =	ssyncset.done $0x0  }
0xa1: {  	[sflag:s22] =	ssyncadd.s32 s5;
	_ =	sdelay $0x1  }
0xa2: {  	s23 =	simm.s32 $0x1B8B  }
0xa3: {  	_ =	swait.ge [sflag:s23], $0x1  }
0xa4: {  	[sflag:s23] =	ssyncset.done $0x0  }
0xa5: {  	s25 =	simm.s32 $0x1B8E;
	s24 =	sld [smem:$0x3FFE];
	[sflag:s23] =	ssyncadd.s32 $0xFFFFFFFF  }
0xa6: {  	s26 =	simm.s32 $execute0_lowered;
	[smem:$0x3FD2] =	sst s25  }
0xa7: {  	s6 =	sshll.u32 s26, $0x1;
	_ =	strace $0x80000046;
	[dreg:$0x1] =	wrdreg $0xFFFFFFFF  }
0xa8: {  	s28 =	simm.s32 $_size_execute0_lowered;
	s4 =	sadd.s32 s4, s6;
	[dreg:$0x0] =	wrdreg $0x0  }
0xa9: {  	s6 =	sshll.u32 s28, $0x1;
	[dreg:$0x2] =	wrdreg s4  }
0xaa: {  	[dreg:$0x3] =	wrdreg s6  }
0xab: {  	[dreg:$0x4] =	wrdreg $0xC0  }
0xac: {  	_ =	task [dreg:s8], $0x5FFFF  }
0xad: {  	[dreg:$0x1] =	wrdreg $0xFFFFFFFF  }
0xae: {  	[dreg:$0x0] =	wrdreg $0x60  }
0xaf: {  	[dreg:$0x2] =	wrdreg s24  }
0xb0: {  	[dreg:$0x3] =	wrdreg s2  }
0xb1: {  	[dreg:$0x4] =	wrdreg s18  }
0xb2: {  	[dreg:$0x5] =	wrdreg $0x9  }
0xb3: {  	_ =	task.clear_ibuf [dreg:s8], $0x6FFFF;
	_ =	strace $0x90000046  }
0xb4: {  	s29 =	simm.s32 $0x9;
	_ =	strace $0x80000048  }
0xb5: {  	_ =	swait.ge [sflag:s29], $0x1  }
0xb6: {  	[sflag:s29] =	ssyncadd.s32 $0xFFFFFFFF  }
0xb7: {  	_ =	strace $0x90000048  }
0xb8: {  	_ =	sfence  }
0xb9: {  	s30 =	sld [smem:$0x0];
	_ =	sdelay $0x2  }
0xba: {  	s31 =	sshll.u32 s1, $0xD;
	s1 =	sshrl.u32 s1, $0x2  }
0xbb: {  	s3 =	sand.u32 $0x4000, s31;
	s1 =	sadd.s32 s1, s30  }
0xbc: {  	s0 =	sor.u32 s3, s0;
	s1 =	sshll.u32 s1, $0x11  }
0xbd: {  	s0 =	sor.u32 s1, s0  }
0xbe: {  	s0 =	sadd.s32 $0x8F2B, s0  }
0xbf: {  	[sflag:s0] =	ssyncadd.remote.s32 $0x1  }
0xc0: {  	_ =	sfence.sel $0xFFFF  }
0xc1: {  	[dreg:$0x0] =	wrdreg $0xFFFFFFFF;
	(pc) =	sbr.abs _section_cstart, $3  }
0xc2: {  	[dreg:$0x1] =	wrdreg $0xFFFFFFFF  }
0xc3: {  	_ =	task.clear_ibuf [dreg:s8], $0x2FFFF;
	_ =	strace $0x9FFFFFFF  }
0xc4: {  	(tm) =	ssettm $0x7FFFFFFF  }
0xc5: {  	_ =	shalt  }
tec
execute0_lowered:
.L_overlay_start_1:
0x0: {  	(tag) =	ssettag $0x1  }
0x1: {  	s0 =	rddreg [dreg:$0x0]  }
0x2: {  	s2 =	rddreg [dreg:$0x1]  }
0x3: {  	s4 =	rddreg [dreg:$0x2];
	s3 =	simm.s32 $0x0  }
0x4: {  	s10 =	simm.s32 $0x8B00;
	[smem:$0x7FF] =	sst s3  }
0x5: {  	s11 =	simm.s32 $0x9300;
	_ =	strace $0x80000047;
	[dreg:$0x5] =	wrdreg s10  }
0x6: {  	s12 =	simm.s32 $0x9B00;
	[dreg:$0x6] =	wrdreg s11  }
0x7: {  	s13 =	simm.s32 $0xA300;
	[dreg:$0x7] =	wrdreg s12  }
0x8: {  	s15 =	simm.s32 $0xAB00;
	[dreg:$0x8] =	wrdreg s13  }
0x9: {  	s16 =	simm.s32 $0xB300;
	[dreg:$0x9] =	wrdreg s15  }
0xa: {  	s18 =	simm.s32 $0xBB00;
	[dreg:$0xa] =	wrdreg s16  }
0xb: {  	s19 =	simm.s32 $0xC300;
	[dreg:$0xb] =	wrdreg s18  }
0xc: {  	s20 =	simm.s32 $0xD300;
	[dreg:$0xc] =	wrdreg s19  }
0xd: {  	s1 =	srdreg.scid;
	s21 =	simm.s32 $0xDB00;
	[dreg:$0xd] =	wrdreg s20  }
0xe: {  	s7 =	stileid.u32;
	s22 =	simm.s32 $0xE300;
	[dreg:$0xe] =	wrdreg s21  }
0xf: {  	s24 =	simm.s32 $0xEB00;
	s25 =	simm.s32 $0xF300;
	[dreg:$0xf] =	wrdreg s22  }
0x10: {  	s8 =	simm.s32 $0x10300;
	s28 =	simm.s32 $0x1;
	[dreg:$0x10] =	wrdreg s24  }
0x11: {  	s29 =	simm.s32 $0x2;
	s30 =	simm.s32 $0x3;
	[dreg:$0x11] =	wrdreg s25  }
0x12: {  	s31 =	simm.s32 $0x4;
	[dreg:$0x13] =	wrdreg s8;
	s10 =	simm.s32 $0x10B00  }
0x13: {  	s1 =	sand.u32 $0x1, s1;
	s11 =	simm.s32 $0x11300;
	[dreg:$0x14] =	wrdreg s10  }
0x14: {  	s5 =	smul.u32 $0xC7000, s7;
	s12 =	simm.s32 $0x11B00;
	[dreg:$0x15] =	wrdreg s11  }
0x15: {  	s14 =	sshll.u32 s7, $0x1;
	s13 =	simm.s32 $0x12300;
	[dreg:$0x16] =	wrdreg s12  }
0x16: {  	s6 =	smul.u32 $0x63800, s1;
	s15 =	simm.s32 $0x13300;
	[dreg:$0x17] =	wrdreg s13  }
0x17: {  	s16 =	simm.s32 $0x13B00;
	s18 =	simm.s32 $0x15300;
	[dreg:$0x19] =	wrdreg s15  }
0x18: {  	s19 =	simm.s32 $0x15B00;
	s20 =	simm.s32 $0x16300;
	[dreg:$0x1a] =	wrdreg s16  }
0x19: {  	s21 =	simm.s32 $0x16B00;
	s22 =	simm.s32 $0x17300;
	[dreg:$0x1c] =	wrdreg s18  }
0x1a: {  	s24 =	simm.s32 $0x18300;
	s25 =	simm.s32 $0x18B00;
	[dreg:$0x1d] =	wrdreg s19  }
0x1b: {  	s5 =	sadd.s32 s5, s4;
	s11 =	simm.s32 $0x4B00;
	[dreg:$0x1e] =	wrdreg s20  }
0x1c: {  	s12 =	simm.s32 $0x5300;
	s13 =	simm.s32 $0x5B00;
	[dreg:$0x1f] =	wrdreg s21  }
0x1d: {  	s15 =	simm.s32 $0x6B00;
	s16 =	simm.s32 $0x7300;
	[smem:$0x7F9] =	sst s22  }
0x1e: {  	s18 =	simm.s32 $0x8300;
	[smem:$0x7FB] =	sst s24;
	s19 =	simm.s32 $0xCB00  }
0x1f: {  	[smem:$0x7FC] =	sst s25;
	s20 =	simm.s32 $0x14B00;
	s21 =	simm.s32 $0x19B00  }
0x20: {  	s22 =	simm.s32 $0x1A300;
	s24 =	simm.s32 $0x1B300;
	s25 =	simm.s32 $0x1BB00  }
0x21: {  	s10 =	simm.s32 $0x0;
	s5 =	sadd.s32 s6, s5;
	s6 =	sor.u32 s1, s14  }
0x22: {  	s1 =	ssub.s32 $0x2, s1;
	s14 =	simm.s32 $0x12B00;
	s17 =	smul.u32 $0x18E0, s6  }
0x23: {  	[dreg:$0x4] =	wrdreg s5;
	s23 =	sshrl.u32 s1, $0x1;
	s9 =	smul.u32 $0x31C000, s6  }
0x24: {  	s6 =	sadd.s32 $0x100, s2;
	[dreg:$0x18] =	wrdreg s14;
	s14 =	simm.s32 $0x6300  }
0x25: {  	s1 =	ssub.s32 s1, s23;
	s23 =	simm.s32 $0x17B00;
	s7 =	sshrl.u32 s17, $0x3  }
0x26: {  	s5 =	sshrl.u32 s9, $0x3;
	s1 =	smax.u32 s1, $0x1;
	[smem:$0x7FA] =	sst s23  }
0x27: {  	s9 =	simm.s32 $0x7;
	s17 =	simm.s32 $0x14300;
	[smem:$0x7F8] =	sst s1  }
0x28: {  	s0 =	sadd.s32 s7, s0;
	s7 =	simm.s32 $0xFB00;
	[dreg:$0x1b] =	wrdreg s17  }
0x29: {  	s23 =	simm.s32 $0x1AB00;
	s26 =	sadd.s32 $0x6A00, s0;
	[dreg:$0x12] =	wrdreg s7  }
0x2a: {  	s4 =	sadd.s32 s4, s5;
	s0 =	sadd.s32 $0x600, s0;
	[smem:$0x7F5] =	sst s26  }
0x2b: {  	v2 =	vlaneseq.u32;
	s17 =	simm.s32 $0x7B00;
	s4 =	sadd.s32 $0x63000, s4;
	[smem:$0x7F6] =	sst s0  }
0x2c: {  	vm0 =	vmmov $0xffff;
	v1 =	vshrl.u32 v2, $0x3;
	s1 =	simm.s32 $0x5;
	[smem:$0x7F7] =	sst s4;
	s26 =	simm.s32 $0x19300  }
0x2d: {  	v0 =	vand.u32 $0x7, v2;
	v2 =	vor.u32 $0x8, v2;
	v1 =	vmul.u32 $0x8, v1;
	s0 =	simm.s32 $0x6;
	[smem:$0x7FD] =	sst s26;
	s26 =	simm.s32 $0x1C300  }
.LBB2_1:
0x2e: {  	s4 =	sld [smem:$0x7F5];
	_ =	sdelay $0x2  }
0x2f: {  	[tilespmem:s3], [sflag:$0x7] =	stream.linear.gather [hbm4b:s4+s3], $0x18E0, $0x38;
	[tilespmem:$0x1CB00] =	vst v63  }
0x30: {  	_ =	swait.ge [sflag:s9], $0x18E0  }
0x31: {  	s8 =	sld [smem:$0x7F6]  }
0x32: {  	[sflag:s9] =	ssyncset.done $0x0  }
0x33: {  	s5 =	simm.s32 $0x1900;
	[sflag:s9] =	ssyncadd.s32 $0xFFFFE720  }
0x34: {  	[tilespmem:s5], [sflag:$0x7] =	stream.linear.gather [hbm4b:s8+s3], $0x18E0, $0x38;
	[tilespmem:$0x1CB00] =	vst v63  }
0x35: {  	_ =	swait.ge [sflag:s9], $0x18E0  }
0x36: {  	[sflag:s9] =	ssyncset.done $0x0  }
0x37: {  	s4 =	simm.s32 $0x0;
	[sflag:s9] =	ssyncadd.s32 $0xFFFFE720  }
0x38: {  	v3 =	vld [tilespmem:s4+$0x0]  }
0x39: {  	s5 =	simm.s32 $0x40;
	v4 =	vld [tilespmem:s4+$0x1900]  }
.LBB2_2:
0x3a: {  	p0 =	sne.s32 s5, $0x6340  }
.Ltmp0:
0x3b: {  	_ = 	snop;
	(pc) =	sbr.rel @p0 .LBB2_2-.Ltmp0, $4  }
0x3c: {  	_ = 	snop  }
0x3d: {  	s7 =	sshra.s32 s5, $0x2;
	s5 =	sadd.s32 $0x40, s5;
	v5 =	vshll.u32 v3, $0x9  }
0x3e: {  	v3 =	vld [tilespmem:s7+$0x0];
	v5 =	vadd.s32 v4, v5  }
0x3f: {  	v4 =	vld [tilespmem:s7+$0x1900];
	[tilespmem:s4+$0x3200] =	vst v5;
	s4 =	smov.u32 s7  }
0x40: {  	_ =	sdelay $0x2  }
0x41: {  	v3 =	vshll.u32 v3, $0x9  }
0x42: {  	v3 =	vadd.s32 v4, v3  }
0x43: {  	s5 =	simm.s32 $0x3260;
	[tilespmem:s4+$0x3200] =	vst v3;
	s4 =	simm.s32 $0x0  }
.LBB2_4:
0x44: {  	p0 =	seq.s32 s4, $0x0  }
0x45: {  	s7 =	simm.s32 @!p0 $0x4  }
0x46: {  	_ =	swait.ge @!p0 [sflag:s7], $0x8000  }
0x47: {  	[sflag:s7] =	ssyncset.done @!p0 $0x0  }
0x48: {  	[sflag:s7] =	ssyncadd.s32 @!p0 $0xFFFF8000  }
0x49: {  	v3 =	vld [tilespmem:s5+$0xFFFFFFA0];
	_ =	sdelay $0x4  }
0x4a: {  	v4 =	vshll.u32 v3, $0x2  }
0x4b: {  	v3 =	vand.u32 $0x7, v3;
	v4 =	vand.u32 $0xFFFFFFE0, v4  }
0x4c: {  	v3 =	vor.u32 v3, v4  }
0x4d: {  	v4 =	vperm.xlane v3, v0;
	_ =	sdelay $0x1  }
0x4e: {  	v4 =	vadd.s32 v1, v4;
	_ =	sdelay $0x1  }
0x4f: {  	v3 =	vperm.xlane v3, v2;
	_ =	sdelay $0x1  }
0x50: {  	v3 =	vadd.s32 v1, v3  }
0x51: {  	[tilespmem:s11], [sflag:$0x1] =	stream.indirect_vreg.gather [hbm4b:s2+s3], $0x80, v4, vm0, $0xb8;
	[tilespmem:$0x1CB00] =	vst v63  }
0x52: {  	_ = 	snop  }
0x53: {  	[tilespmem:s12], [sflag:$0x1] =	stream.indirect_vreg.gather [hbm4b:s6+s3], $0x80, v4, vm0, $0xb8;
	[tilespmem:$0x1CB00] =	vst v63  }
0x54: {  	_ = 	snop  }
0x55: {  	[tilespmem:s13], [sflag:$0x1] =	stream.indirect_vreg.gather [hbm4b:s2+s3], $0x80, v3, vm0, $0xb8;
	[tilespmem:$0x1CB00] =	vst v63  }
0x56: {  	_ = 	snop  }
0x57: {  	[tilespmem:s14], [sflag:$0x1] =	stream.indirect_vreg.gather [hbm4b:s6+s3], $0x80, v3, vm0, $0xb8;
	[tilespmem:$0x1CB00] =	vst v63  }
0x58: {  	v3 =	vld [tilespmem:s5+$0xFFFFFFB0];
	_ =	sdelay $0x4  }
0x59: {  	v53 =	vshll.u32 v3, $0x2  }
0x5a: {  	v3 =	vand.u32 $0x7, v3;
	v4 =	vand.u32 $0xFFFFFFE0, v53  }
0x5b: {  	v3 =	vor.u32 v3, v4  }
0x5c: {  	v4 =	vperm.xlane v3, v0;
	_ =	sdelay $0x1  }
0x5d: {  	v4 =	vadd.s32 v1, v4;
	_ =	sdelay $0x1  }
0x5e: {  	v3 =	vperm.xlane v3, v2;
	_ =	sdelay $0x1  }
0x5f: {  	v3 =	vadd.s32 v1, v3  }
0x60: {  	[tilespmem:s15], [sflag:$0x1] =	stream.indirect_vreg.gather [hbm4b:s2+s3], $0x80, v4, vm0, $0xb8;
	[tilespmem:$0x1CB00] =	vst v63  }
0x61: {  	_ = 	snop  }
0x62: {  	[tilespmem:s16], [sflag:$0x1] =	stream.indirect_vreg.gather [hbm4b:s6+s3], $0x80, v4, vm0, $0xb8;
	[tilespmem:$0x1CB00] =	vst v63  }
0x63: {  	_ = 	snop  }
0x64: {  	[tilespmem:s17], [sflag:$0x1] =	stream.indirect_vreg.gather [hbm4b:s2+s3], $0x80, v3, vm0, $0xb8;
	[tilespmem:$0x1CB00] =	vst v63  }
0x65: {  	_ = 	snop  }
0x66: {  	[tilespmem:s18], [sflag:$0x1] =	stream.indirect_vreg.gather [hbm4b:s6+s3], $0x80, v3, vm0, $0xb8;
	[tilespmem:$0x1CB00] =	vst v63  }
0x67: {  	v3 =	vld [tilespmem:s5+$0xFFFFFFC0];
	_ =	sdelay $0x4  }
0x68: {  	v54 =	vshll.u32 v3, $0x2  }
0x69: {  	v3 =	vand.u32 $0x7, v3;
	v4 =	vand.u32 $0xFFFFFFE0, v54  }
0x6a: {  	v3 =	vor.u32 v3, v4  }
0x6b: {  	v4 =	vperm.xlane v3, v0;
	_ =	sdelay $0x1  }
0x6c: {  	v4 =	vadd.s32 v1, v4;
	_ =	sdelay $0x1  }
0x6d: {  	v3 =	vperm.xlane v3, v2;
	_ =	sdelay $0x1  }
0x6e: {  	s7 =	rddreg [dreg:$0x5];
	v3 =	vadd.s32 v1, v3  }
0x6f: {  	[tilespmem:s7], [sflag:$0x1] =	stream.indirect_vreg.gather [hbm4b:s2+s3], $0x80, v4, vm0, $0xb8;
	[tilespmem:$0x1CB00] =	vst v63  }
0x70: {  	s8 =	rddreg [dreg:$0x6]  }
0x71: {  	[tilespmem:s8], [sflag:$0x1] =	stream.indirect_vreg.gather [hbm4b:s6+s3], $0x80, v4, vm0, $0xb8;
	[tilespmem:$0x1CB00] =	vst v63  }
0x72: {  	s7 =	rddreg [dreg:$0x7]  }
0x73: {  	[tilespmem:s7], [sflag:$0x1] =	stream.indirect_vreg.gather [hbm4b:s2+s3], $0x80, v3, vm0, $0xb8;
	[tilespmem:$0x1CB00] =	vst v63  }
0x74: {  	s8 =	rddreg [dreg:$0x8]  }
0x75: {  	[tilespmem:s8], [sflag:$0x1] =	stream.indirect_vreg.gather [hbm4b:s6+s3], $0x80, v3, vm0, $0xb8;
	[tilespmem:$0x1CB00] =	vst v63  }
0x76: {  	v3 =	vld [tilespmem:s5+$0xFFFFFFD0];
	_ =	sdelay $0x4  }
0x77: {  	v55 =	vshll.u32 v3, $0x2  }
0x78: {  	v3 =	vand.u32 $0x7, v3;
	v4 =	vand.u32 $0xFFFFFFE0, v55  }
0x79: {  	v3 =	vor.u32 v3, v4  }
0x7a: {  	v4 =	vperm.xlane v3, v0;
	_ =	sdelay $0x1  }
0x7b: {  	v4 =	vadd.s32 v1, v4;
	_ =	sdelay $0x1  }
0x7c: {  	v3 =	vperm.xlane v3, v2;
	_ =	sdelay $0x1  }
0x7d: {  	s7 =	rddreg [dreg:$0x9];
	v3 =	vadd.s32 v1, v3  }
0x7e: {  	[tilespmem:s7], [sflag:$0x1] =	stream.indirect_vreg.gather [hbm4b:s2+s3], $0x80, v4, vm0, $0xb8;
	[tilespmem:$0x1CB00] =	vst v63  }
0x7f: {  	s8 =	rddreg [dreg:$0xa]  }
0x80: {  	[tilespmem:s8], [sflag:$0x1] =	stream.indirect_vreg.gather [hbm4b:s6+s3], $0x80, v4, vm0, $0xb8;
	[tilespmem:$0x1CB00] =	vst v63  }
0x81: {  	s7 =	rddreg [dreg:$0xb]  }
0x82: {  	[tilespmem:s7], [sflag:$0x1] =	stream.indirect_vreg.gather [hbm4b:s2+s3], $0x80, v3, vm0, $0xb8;
	[tilespmem:$0x1CB00] =	vst v63  }
0x83: {  	s8 =	rddreg [dreg:$0xc];
	s7 =	simm.s32 @!p0 $0x5  }
0x84: {  	[tilespmem:s8], [sflag:$0x1] =	stream.indirect_vreg.gather [hbm4b:s6+s3], $0x80, v3, vm0, $0xb8;
	[tilespmem:$0x1CB00] =	vst v63  }
0x85: {  	_ =	swait.ge @!p0 [sflag:s7], $0x8000  }
0x86: {  	[sflag:s7] =	ssyncset.done @!p0 $0x0  }
0x87: {  	[sflag:s7] =	ssyncadd.s32 @!p0 $0xFFFF8000  }
0x88: {  	v3 =	vld [tilespmem:s5+$0xFFFFFFE0];
	_ =	sdelay $0x4  }
0x89: {  	v56 =	vshll.u32 v3, $0x2  }
0x8a: {  	v3 =	vand.u32 $0x7, v3;
	v4 =	vand.u32 $0xFFFFFFE0, v56  }
0x8b: {  	v3 =	vor.u32 v3, v4  }
0x8c: {  	v4 =	vperm.xlane v3, v0;
	_ =	sdelay $0x1  }
0x8d: {  	v4 =	vadd.s32 v1, v4;
	_ =	sdelay $0x1  }
0x8e: {  	v3 =	vperm.xlane v3, v2;
	_ =	sdelay $0x1  }
0x8f: {  	v3 =	vadd.s32 v1, v3  }
0x90: {  	[tilespmem:s19], [sflag:$0x2] =	stream.indirect_vreg.gather [hbm4b:s2+s3], $0x80, v4, vm0, $0xb8;
	[tilespmem:$0x1CB00] =	vst v63  }
0x91: {  	s7 =	rddreg [dreg:$0xd]  }
0x92: {  	[tilespmem:s7], [sflag:$0x2] =	stream.indirect_vreg.gather [hbm4b:s6+s3], $0x80, v4, vm0, $0xb8;
	[tilespmem:$0x1CB00] =	vst v63  }
0x93: {  	s8 =	rddreg [dreg:$0xe]  }
0x94: {  	[tilespmem:s8], [sflag:$0x2] =	stream.indirect_vreg.gather [hbm4b:s2+s3], $0x80, v3, vm0, $0xb8;
	[tilespmem:$0x1CB00] =	vst v63  }
0x95: {  	s7 =	rddreg [dreg:$0xf]  }
0x96: {  	[tilespmem:s7], [sflag:$0x2] =	stream.indirect_vreg.gather [hbm4b:s6+s3], $0x80, v3, vm0, $0xb8;
	[tilespmem:$0x1CB00] =	vst v63  }
0x97: {  	v3 =	vld [tilespmem:s5+$0xFFFFFFF0];
	_ =	sdelay $0x4  }
0x98: {  	v57 =	vshll.u32 v3, $0x2  }
0x99: {  	v3 =	vand.u32 $0x7, v3;
	v4 =	vand.u32 $0xFFFFFFE0, v57  }
0x9a: {  	v3 =	vor.u32 v3, v4  }
0x9b: {  	v4 =	vperm.xlane v3, v0;
	_ =	sdelay $0x1  }
0x9c: {  	v4 =	vadd.s32 v1, v4;
	_ =	sdelay $0x1  }
0x9d: {  	v3 =	vperm.xlane v3, v2;
	_ =	sdelay $0x1  }
0x9e: {  	s7 =	rddreg [dreg:$0x10];
	v3 =	vadd.s32 v1, v3  }
0x9f: {  	[tilespmem:s7], [sflag:$0x2] =	stream.indirect_vreg.gather [hbm4b:s2+s3], $0x80, v4, vm0, $0xb8;
	[tilespmem:$0x1CB00] =	vst v63  }
0xa0: {  	s8 =	rddreg [dreg:$0x11]  }
0xa1: {  	[tilespmem:s8], [sflag:$0x2] =	stream.indirect_vreg.gather [hbm4b:s6+s3], $0x80, v4, vm0, $0xb8;
	[tilespmem:$0x1CB00] =	vst v63  }
0xa2: {  	s7 =	rddreg [dreg:$0x12]  }
0xa3: {  	[tilespmem:s7], [sflag:$0x2] =	stream.indirect_vreg.gather [hbm4b:s2+s3], $0x80, v3, vm0, $0xb8;
	[tilespmem:$0x1CB00] =	vst v63  }
0xa4: {  	s8 =	rddreg [dreg:$0x13]  }
0xa5: {  	[tilespmem:s8], [sflag:$0x2] =	stream.indirect_vreg.gather [hbm4b:s6+s3], $0x80, v3, vm0, $0xb8;
	[tilespmem:$0x1CB00] =	vst v63  }
0xa6: {  	v3 =	vld [tilespmem:s5+$0x0];
	_ =	sdelay $0x4  }
0xa7: {  	v58 =	vshll.u32 v3, $0x2  }
0xa8: {  	v3 =	vand.u32 $0x7, v3;
	v4 =	vand.u32 $0xFFFFFFE0, v58  }
0xa9: {  	v3 =	vor.u32 v3, v4  }
0xaa: {  	v4 =	vperm.xlane v3, v0;
	_ =	sdelay $0x1  }
0xab: {  	v4 =	vadd.s32 v1, v4;
	_ =	sdelay $0x1  }
0xac: {  	v3 =	vperm.xlane v3, v2;
	_ =	sdelay $0x1  }
0xad: {  	s7 =	rddreg [dreg:$0x14];
	v3 =	vadd.s32 v1, v3  }
0xae: {  	[tilespmem:s7], [sflag:$0x2] =	stream.indirect_vreg.gather [hbm4b:s2+s3], $0x80, v4, vm0, $0xb8;
	[tilespmem:$0x1CB00] =	vst v63  }
0xaf: {  	s8 =	rddreg [dreg:$0x15]  }
0xb0: {  	[tilespmem:s8], [sflag:$0x2] =	stream.indirect_vreg.gather [hbm4b:s6+s3], $0x80, v4, vm0, $0xb8;
	[tilespmem:$0x1CB00] =	vst v63  }
0xb1: {  	s7 =	rddreg [dreg:$0x16]  }
0xb2: {  	[tilespmem:s7], [sflag:$0x2] =	stream.indirect_vreg.gather [hbm4b:s2+s3], $0x80, v3, vm0, $0xb8;
	[tilespmem:$0x1CB00] =	vst v63  }
0xb3: {  	s8 =	rddreg [dreg:$0x17]  }
0xb4: {  	[tilespmem:s8], [sflag:$0x2] =	stream.indirect_vreg.gather [hbm4b:s6+s3], $0x80, v3, vm0, $0xb8;
	[tilespmem:$0x1CB00] =	vst v63  }
0xb5: {  	v3 =	vld [tilespmem:s5+$0x10];
	_ =	sdelay $0x4  }
0xb6: {  	v59 =	vshll.u32 v3, $0x2  }
0xb7: {  	v3 =	vand.u32 $0x7, v3;
	v4 =	vand.u32 $0xFFFFFFE0, v59  }
0xb8: {  	v3 =	vor.u32 v3, v4  }
0xb9: {  	v4 =	vperm.xlane v3, v0;
	_ =	sdelay $0x1  }
0xba: {  	v4 =	vadd.s32 v1, v4;
	_ =	sdelay $0x1  }
0xbb: {  	v3 =	vperm.xlane v3, v2;
	_ =	sdelay $0x1  }
0xbc: {  	s7 =	rddreg [dreg:$0x18];
	v3 =	vadd.s32 v1, v3  }
0xbd: {  	[tilespmem:s7], [sflag:$0x2] =	stream.indirect_vreg.gather [hbm4b:s2+s3], $0x80, v4, vm0, $0xb8;
	[tilespmem:$0x1CB00] =	vst v63  }
0xbe: {  	s8 =	rddreg [dreg:$0x19]  }
0xbf: {  	[tilespmem:s8], [sflag:$0x2] =	stream.indirect_vreg.gather [hbm4b:s6+s3], $0x80, v4, vm0, $0xb8;
	[tilespmem:$0x1CB00] =	vst v63  }
0xc0: {  	s7 =	rddreg [dreg:$0x1a]  }
0xc1: {  	[tilespmem:s7], [sflag:$0x2] =	stream.indirect_vreg.gather [hbm4b:s2+s3], $0x80, v3, vm0, $0xb8;
	[tilespmem:$0x1CB00] =	vst v63  }
0xc2: {  	s8 =	rddreg [dreg:$0x1b];
	s7 =	simm.s32 @!p0 $0x6  }
0xc3: {  	[tilespmem:s8], [sflag:$0x2] =	stream.indirect_vreg.gather [hbm4b:s6+s3], $0x80, v3, vm0, $0xb8;
	[tilespmem:$0x1CB00] =	vst v63  }
0xc4: {  	_ =	swait.ge @!p0 [sflag:s7], $0x8000  }
0xc5: {  	[sflag:s7] =	ssyncset.done @!p0 $0x0  }
0xc6: {  	[sflag:s7] =	ssyncadd.s32 @!p0 $0xFFFF8000  }
0xc7: {  	v3 =	vld [tilespmem:s5+$0x20];
	_ =	sdelay $0x4  }
0xc8: {  	v60 =	vshll.u32 v3, $0x2  }
0xc9: {  	v3 =	vand.u32 $0x7, v3;
	v4 =	vand.u32 $0xFFFFFFE0, v60  }
0xca: {  	v3 =	vor.u32 v3, v4  }
0xcb: {  	v4 =	vperm.xlane v3, v0;
	_ =	sdelay $0x1  }
0xcc: {  	v4 =	vadd.s32 v1, v4;
	_ =	sdelay $0x1  }
0xcd: {  	v3 =	vperm.xlane v3, v2;
	_ =	sdelay $0x1  }
0xce: {  	v3 =	vadd.s32 v1, v3  }
0xcf: {  	[tilespmem:s20], [sflag:$0x3] =	stream.indirect_vreg.gather [hbm4b:s2+s3], $0x80, v4, vm0, $0xb8;
	[tilespmem:$0x1CB00] =	vst v63  }
0xd0: {  	s7 =	rddreg [dreg:$0x1c]  }
0xd1: {  	[tilespmem:s7], [sflag:$0x3] =	stream.indirect_vreg.gather [hbm4b:s6+s3], $0x80, v4, vm0, $0xb8;
	[tilespmem:$0x1CB00] =	vst v63  }
0xd2: {  	s8 =	rddreg [dreg:$0x1d]  }
0xd3: {  	[tilespmem:s8], [sflag:$0x3] =	stream.indirect_vreg.gather [hbm4b:s2+s3], $0x80, v3, vm0, $0xb8;
	[tilespmem:$0x1CB00] =	vst v63  }
0xd4: {  	s7 =	rddreg [dreg:$0x1e]  }
0xd5: {  	[tilespmem:s7], [sflag:$0x3] =	stream.indirect_vreg.gather [hbm4b:s6+s3], $0x80, v3, vm0, $0xb8;
	[tilespmem:$0x1CB00] =	vst v63  }
0xd6: {  	v3 =	vld [tilespmem:s5+$0x30];
	_ =	sdelay $0x4  }
0xd7: {  	v61 =	vshll.u32 v3, $0x2  }
0xd8: {  	v3 =	vand.u32 $0x7, v3;
	v4 =	vand.u32 $0xFFFFFFE0, v61  }
0xd9: {  	v3 =	vor.u32 v3, v4  }
0xda: {  	v4 =	vperm.xlane v3, v0;
	_ =	sdelay $0x1  }
0xdb: {  	v4 =	vadd.s32 v1, v4;
	_ =	sdelay $0x1  }
0xdc: {  	v3 =	vperm.xlane v3, v2  }
0xdd: {  	s8 =	sld [smem:$0x7F9]  }
0xde: {  	s7 =	rddreg [dreg:$0x1f];
	v3 =	vadd.s32 v1, v3  }
0xdf: {  	[tilespmem:s7], [sflag:$0x3] =	stream.indirect_vreg.gather [hbm4b:s2+s3], $0x80, v4, vm0, $0xb8;
	[tilespmem:$0x1CB00] =	vst v63  }
0xe0: {  	s7 =	sld [smem:$0x7FA]  }
0xe1: {  	[tilespmem:s8], [sflag:$0x3] =	stream.indirect_vreg.gather [hbm4b:s6+s3], $0x80, v4, vm0, $0xb8;
	[tilespmem:$0x1CB00] =	vst v63  }
0xe2: {  	s8 =	sld [smem:$0x7FB]  }
0xe3: {  	[tilespmem:s7], [sflag:$0x3] =	stream.indirect_vreg.gather [hbm4b:s2+s3], $0x80, v3, vm0, $0xb8;
	[tilespmem:$0x1CB00] =	vst v63  }
0xe4: {  	_ = 	snop  }
0xe5: {  	[tilespmem:s8], [sflag:$0x3] =	stream.indirect_vreg.gather [hbm4b:s6+s3], $0x80, v3, vm0, $0xb8;
	[tilespmem:$0x1CB00] =	vst v63  }
0xe6: {  	v3 =	vld [tilespmem:s5+$0x40];
	_ =	sdelay $0x4  }
0xe7: {  	v62 =	vshll.u32 v3, $0x2  }
0xe8: {  	v3 =	vand.u32 $0x7, v3;
	v4 =	vand.u32 $0xFFFFFFE0, v62  }
0xe9: {  	v3 =	vor.u32 v3, v4  }
0xea: {  	v4 =	vperm.xlane v3, v0;
	_ =	sdelay $0x1  }
0xeb: {  	v4 =	vadd.s32 v1, v4;
	_ =	sdelay $0x1  }
0xec: {  	s7 =	sld [smem:$0x7FC];
	v3 =	vperm.xlane v3, v2;
	_ =	sdelay $0x1  }
0xed: {  	s8 =	sld [smem:$0x7FD];
	v3 =	vadd.s32 v1, v3  }
0xee: {  	[tilespmem:s7], [sflag:$0x3] =	stream.indirect_vreg.gather [hbm4b:s2+s3], $0x80, v4, vm0, $0xb8;
	[tilespmem:$0x1CB00] =	vst v63  }
0xef: {  	_ = 	snop  }
0xf0: {  	[tilespmem:s8], [sflag:$0x3] =	stream.indirect_vreg.gather [hbm4b:s6+s3], $0x80, v4, vm0, $0xb8;
	[tilespmem:$0x1CB00] =	vst v63  }
0xf1: {  	_ = 	snop  }
0xf2: {  	[tilespmem:s21], [sflag:$0x3] =	stream.indirect_vreg.gather [hbm4b:s2+s3], $0x80, v3, vm0, $0xb8;
	[tilespmem:$0x1CB00] =	vst v63  }
0xf3: {  	_ = 	snop  }
0xf4: {  	[tilespmem:s22], [sflag:$0x3] =	stream.indirect_vreg.gather [hbm4b:s6+s3], $0x80, v3, vm0, $0xb8;
	[tilespmem:$0x1CB00] =	vst v63  }
0xf5: {  	v3 =	vld [tilespmem:s5+$0x50];
	_ =	sdelay $0x4  }
0xf6: {  	v63 =	vshll.u32 v3, $0x2  }
0xf7: {  	v3 =	vand.u32 $0x7, v3;
	v4 =	vand.u32 $0xFFFFFFE0, v63  }
0xf8: {  	v3 =	vor.u32 v3, v4  }
0xf9: {  	v4 =	vperm.xlane v3, v0;
	_ =	sdelay $0x1  }
0xfa: {  	v4 =	vadd.s32 v1, v4;
	_ =	sdelay $0x1  }
0xfb: {  	v3 =	vperm.xlane v3, v2;
	_ =	sdelay $0x1  }
0xfc: {  	v3 =	vadd.s32 v1, v3  }
0xfd: {  	[tilespmem:s23], [sflag:$0x3] =	stream.indirect_vreg.gather [hbm4b:s2+s3], $0x80, v4, vm0, $0xb8;
	[tilespmem:$0x1CB00] =	vst v63  }
0xfe: {  	_ = 	snop  }
0xff: {  	[tilespmem:s24], [sflag:$0x3] =	stream.indirect_vreg.gather [hbm4b:s6+s3], $0x80, v4, vm0, $0xb8;
	[tilespmem:$0x1CB00] =	vst v63  }
0x100: {  	_ = 	snop  }
0x101: {  	[tilespmem:s25], [sflag:$0x3] =	stream.indirect_vreg.gather [hbm4b:s2+s3], $0x80, v3, vm0, $0xb8;
	[tilespmem:$0x1CB00] =	vst v63  }
0x102: {  	_ = 	snop  }
0x103: {  	[tilespmem:s26], [sflag:$0x3] =	stream.indirect_vreg.gather [hbm4b:s6+s3], $0x80, v3, vm0, $0xb8;
	[tilespmem:$0x1CB00] =	vst v63  }
0x104: {  	_ =	swait.ge [sflag:s28], $0x8000  }
0x105: {  	s8 =	rddreg [dreg:$0x4];
	[sflag:s28] =	ssyncset.done $0x0  }
0x106: {  	[sflag:s28] =	ssyncadd.s32 $0xFFFF8000;
	s7 =	sadd.s32 s4, s8  }
0x107: {  	[hbm4b:s7+s3] =	stream.linear.scatter [tilespmem:s11], [sflag:$0x4], $0x8000, $0x38;
	[tilespmem:$0x1CB00] =	vst v63  }
0x108: {  	_ =	swait.ge [sflag:s29], $0x8000  }
0x109: {  	s4 =	sadd.s32 $0x3000, s4;
	[sflag:s29] =	ssyncset.done $0x0  }
0x10a: {  	s8 =	sadd.s32 $0x1000, s7;
	p0 =	sne.s32 s4, $0x63000;
	[sflag:s29] =	ssyncadd.s32 $0xFFFF8000  }
0x10b: {  	[hbm4b:s8+s3] =	stream.linear.scatter [tilespmem:s19], [sflag:$0x5], $0x8000, $0x38;
	[tilespmem:$0x1CB00] =	vst v63  }
.Ltmp1:
0x10c: {  	_ = 	snop;
	(pc) =	sbr.rel @p0 .LBB2_4-.Ltmp1, $4  }
0x10d: {  	_ =	swait.ge [sflag:s30], $0x8000  }
0x10e: {  	[sflag:s30] =	ssyncset.done $0x0  }
0x10f: {  	s5 =	sadd.s32 $0xC0, s5;
	s7 =	sadd.s32 $0x2000, s7;
	[sflag:s30] =	ssyncadd.s32 $0xFFFF8000  }
0x110: {  	[hbm4b:s7+s3] =	stream.linear.scatter [tilespmem:s20], [sflag:$0x6], $0x8000, $0x38;
	[tilespmem:$0x1CB00] =	vst v63  }
0x111: {  	_ =	swait.ge [sflag:s31], $0x8000  }
0x112: {  	[sflag:s31] =	ssyncset.done $0x0  }
0x113: {  	[sflag:s31] =	ssyncadd.s32 $0xFFFF8000  }
0x114: {  	v3 =	vld [tilespmem:$0x4AC0];
	_ =	sdelay $0x4  }
0x115: {  	v4 =	vshll.u32 v3, $0x2  }
0x116: {  	v3 =	vand.u32 $0x7, v3;
	v4 =	vand.u32 $0xFFFFFFE0, v4  }
0x117: {  	v3 =	vor.u32 v3, v4  }
0x118: {  	v4 =	vperm.xlane v3, v0;
	_ =	sdelay $0x1  }
0x119: {  	v4 =	vadd.s32 v1, v4;
	_ =	sdelay $0x1  }
0x11a: {  	v3 =	vperm.xlane v3, v2;
	_ =	sdelay $0x1  }
0x11b: {  	v3 =	vadd.s32 v1, v3  }
0x11c: {  	[tilespmem:s11], [sflag:$0x1] =	stream.indirect_vreg.gather [hbm4b:s2+s3], $0x80, v4, vm0, $0xb8;
	[tilespmem:$0x1CB00] =	vst v63  }
0x11d: {  	_ = 	snop  }
0x11e: {  	[tilespmem:s12], [sflag:$0x1] =	stream.indirect_vreg.gather [hbm4b:s6+s3], $0x80, v4, vm0, $0xb8;
	[tilespmem:$0x1CB00] =	vst v63  }
0x11f: {  	_ = 	snop  }
0x120: {  	[tilespmem:s13], [sflag:$0x1] =	stream.indirect_vreg.gather [hbm4b:s2+s3], $0x80, v3, vm0, $0xb8;
	[tilespmem:$0x1CB00] =	vst v63  }
0x121: {  	_ = 	snop  }
0x122: {  	[tilespmem:s14], [sflag:$0x1] =	stream.indirect_vreg.gather [hbm4b:s6+s3], $0x80, v3, vm0, $0xb8;
	[tilespmem:$0x1CB00] =	vst v63  }
0x123: {  	v3 =	vld [tilespmem:$0x4AD0];
	_ =	sdelay $0x4  }
0x124: {  	v63 =	vshll.u32 v3, $0x2  }
0x125: {  	v3 =	vand.u32 $0x7, v3;
	v4 =	vand.u32 $0xFFFFFFE0, v63  }
0x126: {  	v3 =	vor.u32 v3, v4  }
0x127: {  	v4 =	vperm.xlane v3, v0;
	_ =	sdelay $0x1  }
0x128: {  	v4 =	vadd.s32 v1, v4;
	_ =	sdelay $0x1  }
0x129: {  	v3 =	vperm.xlane v3, v2;
	_ =	sdelay $0x1  }
0x12a: {  	v3 =	vadd.s32 v1, v3  }
0x12b: {  	[tilespmem:s15], [sflag:$0x1] =	stream.indirect_vreg.gather [hbm4b:s2+s3], $0x80, v4, vm0, $0xb8;
	[tilespmem:$0x1CB00] =	vst v63  }
0x12c: {  	_ = 	snop  }
0x12d: {  	[tilespmem:s16], [sflag:$0x1] =	stream.indirect_vreg.gather [hbm4b:s6+s3], $0x80, v4, vm0, $0xb8;
	[tilespmem:$0x1CB00] =	vst v63  }
0x12e: {  	_ = 	snop  }
0x12f: {  	[tilespmem:s17], [sflag:$0x1] =	stream.indirect_vreg.gather [hbm4b:s2+s3], $0x80, v3, vm0, $0xb8;
	[tilespmem:$0x1CB00] =	vst v63  }
0x130: {  	_ = 	snop  }
0x131: {  	[tilespmem:s18], [sflag:$0x1] =	stream.indirect_vreg.gather [hbm4b:s6+s3], $0x80, v3, vm0, $0xb8;
	[tilespmem:$0x1CB00] =	vst v63  }
0x132: {  	_ =	swait.ge [sflag:s28], $0x4000  }
0x133: {  	s4 =	sld [smem:$0x7F7]  }
0x134: {  	[sflag:s28] =	ssyncset.done $0x0  }
0x135: {  	[sflag:s28] =	ssyncadd.s32 $0xFFFFC000  }
0x136: {  	[hbm4b:s4+s3] =	stream.linear.scatter [tilespmem:s11], [sflag:$0x7], $0x4000, $0x38;
	[tilespmem:$0x1CB00] =	vst v63  }
0x137: {  	_ =	swait.ge [sflag:s9], $0x4000  }
0x138: {  	[sflag:s9] =	ssyncset.done $0x0  }
0x139: {  	[sflag:s9] =	ssyncadd.s32 $0xFFFFC000  }
0x13a: {  	_ =	swait.ge [sflag:s1], $0x8000  }
0x13b: {  	[sflag:s1] =	ssyncset.done $0x0  }
0x13c: {  	[sflag:s1] =	ssyncadd.s32 $0xFFFF8000  }
0x13d: {  	_ =	swait.ge [sflag:s0], $0x8000  }
0x13e: {  	s8 =	sld [smem:$0x7F8];
	_ =	sdelay $0x1  }
0x13f: {  	s10 =	sadd.s32 $0x1, s10  }
0x140: {  	p0 =	sne.s32 s10, s8  }
.Ltmp2:
0x141: {  	_ = 	snop;
	(pc) =	sbr.rel @p0 .LBB2_1-.Ltmp2, $3  }
0x142: {  	_ =	sdelay $0x1  }
0x143: {  	[sflag:s0] =	ssyncset.done $0x0  }
0x144: {  	[sflag:s0] =	ssyncadd.s32 $0xFFFF8000  }
0x145: {  	_ =	sfence.sel $0x180000  }
0x146: {  	[bflag:$0x0] =	sbarrier.arrive $0xFFFF  }
0x147: {  	_ =	strace $0x90000047  }
0x148: {  	s0 =	stileid.u32;
	[bflag:$0x2] =	sbarrier.arrive $0xFFFF  }
0x149: {  	p0 =	sne.s32 s0, $0x0;
	s0 =	rddreg [dreg:$0x3]  }
0x14a: {  	s0 =	sadd.s32 @!p0 $0x100000, s0  }
0x14b: {  	[sflag:s0] =	ssyncadd.tile.s32 @!p0 $0x1;
	_ =	shalt  }
.Lfunc_end2:
_tile_overlayer_lowered:
.L_overlay_start_2:
0x14c: {  	(tag) =	ssettag $0x2  }
0x14d: {  	s0 =	rddreg [dreg:$0x0];
	s2 =	stileid.u32  }
0x14e: {  	s1 =	rddreg [dreg:$0x1];
	p0 =	sne.s32 s2, $0x0  }
0x14f: {  	s3 =	rddreg [dreg:$0x2];
	[bflag:$0x3] =	sbarrier.arrive $0xFFFF;
	s2 =	simm.s32 @!p0 $0x1C07  }
0x150: {  	[timem:s3], [sflag:s2] =	dma.local @!p0 [hbm:s0], s1  }
0x151: {  	s0 =	simm.s32 @!p0 $0x7  }
0x152: {  	_ =	swait.ge @!p0 [sflag:s0], s1  }
0x153: {  	s1 =	ssub.s32 @!p0 $0x0, s1;
	[sflag:s0] =	ssyncset.done @!p0 $0x0  }
0x154: {  	[sflag:s0] =	ssyncadd.s32 @!p0 s1  }
0x155: {  	[bflag:$0x3] =	sbarrier.arrive $0xFFFF  }
0x156: {  	_ =	shalt  }

</sc_bundles>
